<compile_context>
chip_gen: v7x
topology: tpu7x:2x2x1
jax: 0.10.2.dev20260603
libtpu: 0.0.44.dev20260713+nightly
codegen_flags: <defaults>
</compile_context>

<pallas_src>
import functools

import jax
import jax.numpy as jnp
from jax import lax
from jax.experimental import pallas as pl
from jax.experimental.pallas import tpu as pltpu
from jax.experimental.pallas import tpu_sc as plsc

_NC, _NS = 2, 16
_NW = _NC * _NS
_SEQ = 1024
_B = 4096
_D = 2048
_RPW = _B // _NW
_CHUNK = 8
_NBUF = 6
_NCHUNK = _RPW // _CHUNK

_mesh = plsc.VectorSubcoreMesh(core_axis_name="c", subcore_axis_name="s")


@functools.partial(
    pl.kernel,
    mesh=_mesh,
    out_type=jax.ShapeDtypeStruct((_B, _D), jnp.float32),
    scratch_types=[
        pltpu.VMEM((_RPW,), jnp.int32),
        pltpu.VMEM((_NBUF * _CHUNK, _D), jnp.float32),
        pltpu.SemaphoreType.DMA((_NBUF,)),
        pltpu.SemaphoreType.DMA((_NBUF,)),
    ],
)
def _sc_gather(idx_hbm, table_hbm, out_hbm, idx_v, rows_v, gsem, wsem):
    wid = lax.axis_index("s") * _NC + lax.axis_index("c")
    base = wid * _RPW
    pltpu.sync_copy(
        idx_hbm.at[wid // (_SEQ // _RPW), pl.ds((wid % (_SEQ // _RPW)) * _RPW, _RPW)],
        idx_v,
    )

    def gather_copy(g):
        b = lax.rem(g, _NBUF) if not isinstance(g, int) else g % _NBUF
        goff = pl.multiple_of(g * _CHUNK, 8)
        boff = pl.multiple_of(b * _CHUNK, 8)
        return pltpu.make_async_copy(
            table_hbm.at[idx_v.at[pl.ds(goff, _CHUNK)]],
            rows_v.at[pl.ds(boff, _CHUNK)],
            gsem.at[b],
        )

    def write_copy(g):
        b = lax.rem(g, _NBUF) if not isinstance(g, int) else g % _NBUF
        boff = pl.multiple_of(b * _CHUNK, 8)
        ooff = pl.multiple_of(base + g * _CHUNK, 8)
        return pltpu.make_async_copy(
            rows_v.at[pl.ds(boff, _CHUNK)],
            out_hbm.at[pl.ds(ooff, _CHUNK)],
            wsem.at[b],
        )

    def prime(g, carry):
        gather_copy(g).start()
        return carry

    lax.fori_loop(0, _NBUF, prime, 0)
    gather_copy(0).wait()
    write_copy(0).start()

    def body(g, carry):
        gather_copy(g).wait()
        write_copy(g).start()
        write_copy(g - 1).wait()
        gather_copy(g + _NBUF - 1).start()
        return carry

    lax.fori_loop(1, _NCHUNK - _NBUF + 1, body, 0)

    def tail(g, carry):
        gather_copy(g).wait()
        write_copy(g).start()
        write_copy(g - 1).wait()
        return carry

    lax.fori_loop(_NCHUNK - _NBUF + 1, _NCHUNK, tail, 0)
    write_copy(_NCHUNK - 1).wait()


def kernel(indices, table):
    out = _sc_gather(indices.astype(jnp.int32), table)
    return out.reshape(indices.shape + (table.shape[1],))

# --- scband reference (transcript-rebuilt; emitter-appended) ---
"""Pipeline reference for scband-prompt-embedding-38293928411224 (READ-ONLY COPY).

The authoritative reference and input builder live on the scoring server;
editing this copy changes nothing except your own understanding.
"""

import jax, jax.numpy as jnp
import numpy as np

TOTAL_VIRTUAL_TOKENS = 512 * 2  # num_virturl_tokens * num_transformer_submodules
TOKEN_DIM = 2048
BATCH = 4
SEQ = 1024


def setup_inputs(seed: int = 0) -> dict:
    key = jax.random.key(seed)
    k_idx, k_tab = jax.random.split(key)
    indices = jax.random.randint(k_idx, (BATCH, SEQ), 0, TOTAL_VIRTUAL_TOKENS, dtype=jnp.int64 if jax.config.jax_enable_x64 else jnp.int32)
    table = jax.random.normal(k_tab, (TOTAL_VIRTUAL_TOKENS, TOKEN_DIM), dtype=jnp.float32)
    return {"indices": indices, "table": table}


def reference(indices, table):
    # nn.Embedding forward: row gather from embedding table
    prompt_embs = jnp.take(table, indices, axis=0)
    return prompt_embs


if False:  # reference __main__ guard neutralized (emitter)
    inp = setup_inputs()
    out = reference(**inp)
    print(out.shape, out.dtype)

if __name__ == "__main__":
    import jax
    _d = setup_inputs()
    print(jax.jit(kernel)(*tuple(_d.values())))

</pallas_src>

<mosaic_0001>
#map = affine_map<(d0, d1) -> (0, 0)>
module attributes {stable_mosaic.version = 14 : i64} {
  func.func @_sc_gather(%arg0: i32, %arg1: i32, %arg2: memref<4x1024xi32, #tpu.memory_space<hbm>>, %arg3: memref<1024x2048xf32, #tpu.memory_space<hbm>>, %arg4: memref<4096x2048xf32, #tpu.memory_space<hbm>>, %arg5: memref<128xi32, #tpu.memory_space<vmem>>, %arg6: memref<48x2048xf32, #tpu.memory_space<vmem>>, %arg7: memref<6x!tpu.dma_semaphore, #tpu.memory_space<semaphore_mem>>, %arg8: memref<6x!tpu.dma_semaphore, #tpu.memory_space<semaphore_mem>>) attributes {dimension_semantics = [#tpu.dimension_semantics<core_parallel>, #tpu.dimension_semantics<subcore_parallel>], iteration_bounds = array<i64: 2, 16>, scalar_prefetch = 0 : i64, scratch_operands = 4 : i64, tpu.core_type = #tpu.core_type<sc_vector_subcore>, window_params = [{transform_indices = #map}, {transform_indices = #map}, {transform_indices = #map}]} {
    %mul3A = arith.constant 2 : i32
    %mul3A_0 = arith.muli %arg1, %mul3A : i32
    %add3A = arith.addi %mul3A_0, %arg0 : i32
    %mul3A_1 = arith.constant 128 : i32
    %mul3A_2 = arith.muli %add3A, %mul3A_1 : i32
    %jit3A = arith.constant 8 : i32
    %div3A = arith.divsi %add3A, %jit3A : i32
    %sign3A = arith.constant 0 : i32
    %sign3A_3 = arith.cmpi sgt, %add3A, %sign3A : i32
    %sign3A_4 = arith.extui %sign3A_3 : i1 to i32
    %sign3A_5 = arith.constant 0 : i32
    %sign3A_6 = arith.cmpi slt, %add3A, %sign3A_5 : i32
    %sign3A_7 = arith.extui %sign3A_6 : i1 to i32
    %sign3A_8 = arith.subi %sign3A_4, %sign3A_7 : i32
    %sign3A_9 = arith.constant 0 : i32
    %sign3A_10 = arith.cmpi sgt, %jit3A, %sign3A_9 : i32
    %sign3A_11 = arith.extui %sign3A_10 : i1 to i32
    %sign3A_12 = arith.constant 0 : i32
    %sign3A_13 = arith.cmpi slt, %jit3A, %sign3A_12 : i32
    %sign3A_14 = arith.extui %sign3A_13 : i1 to i32
    %sign3A_15 = arith.subi %sign3A_11, %sign3A_14 : i32
    %ne3A = arith.cmpi ne, %sign3A_8, %sign3A_15 : i32
    %rem3A = arith.remsi %add3A, %jit3A : i32
    %ne3A_16 = arith.constant 0 : i32
    %ne3A_17 = arith.cmpi ne, %rem3A, %ne3A_16 : i32
    %and3A = arith.andi %ne3A, %ne3A_17 : i1
    %sub3A = arith.constant 1 : i32
    %sub3A_18 = arith.subi %div3A, %sub3A : i32
    %select_n3A = arith.select %and3A, %sub3A_18, %div3A : i32
    %jit3A_19 = arith.constant 8 : i32
    %eq3A = arith.constant 0 : i32
    %eq3A_20 = arith.cmpi eq, %jit3A_19, %eq3A : i32
    %jit3A_21 = arith.constant 1 : i32
    %select_n3A_22 = arith.select %eq3A_20, %jit3A_21, %jit3A_19 : i32
    %rem3A_23 = arith.remsi %add3A, %select_n3A_22 : i32
    %ne3A_24 = arith.constant 0 : i32
    %ne3A_25 = arith.cmpi ne, %rem3A_23, %ne3A_24 : i32
    %lt3A = arith.constant 0 : i32
    %lt3A_26 = arith.cmpi slt, %rem3A_23, %lt3A : i32
    %lt3A_27 = arith.constant 0 : i32
    %lt3A_28 = arith.cmpi slt, %select_n3A_22, %lt3A_27 : i32
    %ne3A_29 = arith.xori %lt3A_26, %lt3A_28 : i1
    %and3A_30 = arith.andi %ne3A_29, %ne3A_25 : i1
    %add3A_31 = arith.addi %rem3A_23, %select_n3A_22 : i32
    %select_n3A_32 = arith.select %and3A_30, %add3A_31, %rem3A_23 : i32
    %mul3A_33 = arith.constant 128 : i32
    %mul3A_34 = arith.muli %select_n3A_32, %mul3A_33 : i32
    "tpu.region"() ({
      %run_scoped3A = tpu.sem_alloc : memref<!tpu.dma_semaphore, #tpu.memory_space<semaphore_mem>>
      %dma_start3A_94 = tpu.memref_slice %arg2[%select_n3A, %mul3A_34] : memref<4x1024xi32, #tpu.memory_space<hbm>> -> memref<1x128xi32, #tpu.memory_space<hbm>>
      %dma_start3A_95 = tpu.memref_squeeze %dma_start3A_94 : memref<1x128xi32, #tpu.memory_space<hbm>> -> memref<128xi32, #tpu.memory_space<hbm>>
      %dma_start3A_96 = tpu.memref_slice %arg2[%select_n3A, %mul3A_34] : memref<4x1024xi32, #tpu.memory_space<hbm>> -> memref<1x128xi32, #tpu.memory_space<hbm>>
      %dma_start3A_97 = tpu.memref_squeeze %dma_start3A_96 : memref<1x128xi32, #tpu.memory_space<hbm>> -> memref<128xi32, #tpu.memory_space<hbm>>
      tpu.enqueue_dma source(%dma_start3A_97 : memref<128xi32, #tpu.memory_space<hbm>>) target(%arg5 : memref<128xi32, #tpu.memory_space<vmem>>) target_semaphore(%run_scoped3A : memref<!tpu.dma_semaphore, #tpu.memory_space<semaphore_mem>>)
      %dma_wait3A_98 = tpu.memref_slice %arg2[%select_n3A, %mul3A_34] : memref<4x1024xi32, #tpu.memory_space<hbm>> -> memref<1x128xi32, #tpu.memory_space<hbm>>
      %dma_wait3A_99 = tpu.memref_squeeze %dma_wait3A_98 : memref<1x128xi32, #tpu.memory_space<hbm>> -> memref<128xi32, #tpu.memory_space<hbm>>
      %dma_wait3A_100 = tpu.memref_slice %arg2[%select_n3A, %mul3A_34] : memref<4x1024xi32, #tpu.memory_space<hbm>> -> memref<1x128xi32, #tpu.memory_space<hbm>>
      %dma_wait3A_101 = tpu.memref_squeeze %dma_wait3A_100 : memref<1x128xi32, #tpu.memory_space<hbm>> -> memref<128xi32, #tpu.memory_space<hbm>>
      tpu.wait_dma2 semaphore(%run_scoped3A : memref<!tpu.dma_semaphore, #tpu.memory_space<semaphore_mem>>) src(%dma_wait3A_101 : memref<128xi32, #tpu.memory_space<hbm>>) dst(%arg5 : memref<128xi32, #tpu.memory_space<vmem>>)
      tpu.yield
    }) : () -> ()
    %scan3A = arith.constant 0 : i32
    %scan3A_35 = arith.constant 0 : i32
    %scan3A_36 = arith.constant 6 : i32
    %scan3A_37 = arith.addi %scan3A_35, %scan3A_36 : i32
    %scan3A_38 = arith.constant 1 : i32
    scf.for %scan3A_94 = %scan3A_35 to %scan3A_37 step %scan3A_38  : i32 {
      %rem3A_95 = arith.constant 6 : i32
      %rem3A_96 = arith.remsi %scan3A_94, %rem3A_95 : i32
      %mul3A_97 = arith.constant 8 : i32
      %mul3A_98 = arith.muli %scan3A_94, %mul3A_97 : i32
      %multiple_of3A_99 = tpu.assume_multiple %mul3A_98, 8 : i32
      %mul3A_100 = arith.constant 8 : i32
      %mul3A_101 = arith.muli %rem3A_96, %mul3A_100 : i32
      %multiple_of3A_102 = tpu.assume_multiple %mul3A_101, 8 : i32
      %dma_start3A_103 = arith.constant 0 : i32
      %dma_start3A_104 = tpu.memref_slice %arg6[%multiple_of3A_102, %dma_start3A_103] : memref<48x2048xf32, #tpu.memory_space<vmem>> -> memref<8x2048xf32, #tpu.memory_space<vmem>>
      %dma_start3A_105 = tpu.memref_slice %arg5[%multiple_of3A_99] : memref<128xi32, #tpu.memory_space<vmem>> -> memref<8xi32, #tpu.memory_space<vmem>>
      %dma_start3A_106 = arith.constant 0 : i32
      %dma_start3A_107 = arith.constant 0 : i32
      %dma_start3A_108 = tpu.memref_slice %arg3[%dma_start3A_106, %dma_start3A_107] : memref<1024x2048xf32, #tpu.memory_space<hbm>> -> memref<1024x2048xf32, #tpu.memory_space<hbm>>
      %dma_start3A_109 = tpu.memref_slice %arg7[%rem3A_96] : memref<6x!tpu.dma_semaphore, #tpu.memory_space<semaphore_mem>> -> memref<1x!tpu.dma_semaphore, #tpu.memory_space<semaphore_mem>>
      %dma_start3A_110 = tpu.memref_squeeze %dma_start3A_109 : memref<1x!tpu.dma_semaphore, #tpu.memory_space<semaphore_mem>> -> memref<!tpu.dma_semaphore, #tpu.memory_space<semaphore_mem>>
      tpu.enqueue_indirect_dma source(%dma_start3A_108 : memref<1024x2048xf32, #tpu.memory_space<hbm>>) target(%dma_start3A_104 : memref<8x2048xf32, #tpu.memory_space<vmem>>) offsets(%dma_start3A_105 : memref<8xi32, #tpu.memory_space<vmem>>) semaphore(%dma_start3A_110 : memref<!tpu.dma_semaphore, #tpu.memory_space<semaphore_mem>>)
    }
    %scan3A_39 = arith.constant 6 : i32
    %multiple_of3A = arith.constant 0 : i32
    %multiple_of3A_40 = tpu.assume_multiple %multiple_of3A, 8 : i32
    %multiple_of3A_41 = arith.constant 0 : i32
    %multiple_of3A_42 = tpu.assume_multiple %multiple_of3A_41, 8 : i32
    %dma_wait3A = arith.constant 0 : i32
    %dma_wait3A_43 = arith.constant 0 : i32
    %dma_wait3A_44 = tpu.memref_slice %arg6[%multiple_of3A_42, %dma_wait3A_43] : memref<48x2048xf32, #tpu.memory_space<vmem>> -> memref<8x2048xf32, #tpu.memory_space<vmem>>
    %dma_wait3A_45 = tpu.memref_slice %arg5[%multiple_of3A_40] : memref<128xi32, #tpu.memory_space<vmem>> -> memref<8xi32, #tpu.memory_space<vmem>>
    %dma_wait3A_46 = arith.constant 0 : i32
    %dma_wait3A_47 = arith.constant 0 : i32
    %dma_wait3A_48 = tpu.memref_slice %arg3[%dma_wait3A_46, %dma_wait3A_47] : memref<1024x2048xf32, #tpu.memory_space<hbm>> -> memref<1024x2048xf32, #tpu.memory_space<hbm>>
    %dma_wait3A_49 = tpu.memref_slice %arg7[%dma_wait3A] : memref<6x!tpu.dma_semaphore, #tpu.memory_space<semaphore_mem>> -> memref<1x!tpu.dma_semaphore, #tpu.memory_space<semaphore_mem>>
    %dma_wait3A_50 = tpu.memref_squeeze %dma_wait3A_49 : memref<1x!tpu.dma_semaphore, #tpu.memory_space<semaphore_mem>> -> memref<!tpu.dma_semaphore, #tpu.memory_space<semaphore_mem>>
    tpu.wait_indirect_dma semaphore(%dma_wait3A_50 : memref<!tpu.dma_semaphore, #tpu.memory_space<semaphore_mem>>) src(%dma_wait3A_48 : memref<1024x2048xf32, #tpu.memory_space<hbm>>) dst(%dma_wait3A_44 : memref<8x2048xf32, #tpu.memory_space<vmem>>)
    %multiple_of3A_51 = arith.constant 0 : i32
    %multiple_of3A_52 = tpu.assume_multiple %multiple_of3A_51, 8 : i32
    %add3A_53 = arith.constant 0 : i32
    %add3A_54 = arith.addi %mul3A_2, %add3A_53 : i32
    %multiple_of3A_55 = tpu.assume_multiple %add3A_54, 8 : i32
    %dma_start3A = arith.constant 0 : i32
    %dma_start3A_56 = arith.constant 0 : i32
    %dma_start3A_57 = tpu.memref_slice %arg6[%multiple_of3A_52, %dma_start3A_56] : memref<48x2048xf32, #tpu.memory_space<vmem>> -> memref<8x2048xf32, #tpu.memory_space<vmem>>
    %dma_start3A_58 = arith.constant 0 : i32
    %dma_start3A_59 = tpu.memref_slice %arg4[%multiple_of3A_55, %dma_start3A_58] : memref<4096x2048xf32, #tpu.memory_space<hbm>> -> memref<8x2048xf32, #tpu.memory_space<hbm>>
    %dma_start3A_60 = tpu.memref_slice %arg8[%dma_start3A] : memref<6x!tpu.dma_semaphore, #tpu.memory_space<semaphore_mem>> -> memref<1x!tpu.dma_semaphore, #tpu.memory_space<semaphore_mem>>
    %dma_start3A_61 = tpu.memref_squeeze %dma_start3A_60 : memref<1x!tpu.dma_semaphore, #tpu.memory_space<semaphore_mem>> -> memref<!tpu.dma_semaphore, #tpu.memory_space<semaphore_mem>>
    %dma_start3A_62 = arith.constant 0 : i32
    %dma_start3A_63 = tpu.memref_slice %arg4[%multiple_of3A_55, %dma_start3A_62] : memref<4096x2048xf32, #tpu.memory_space<hbm>> -> memref<8x2048xf32, #tpu.memory_space<hbm>>
    %dma_start3A_64 = arith.constant 0 : i32
    %dma_start3A_65 = tpu.memref_slice %arg6[%multiple_of3A_52, %dma_start3A_64] : memref<48x2048xf32, #tpu.memory_space<vmem>> -> memref<8x2048xf32, #tpu.memory_space<vmem>>
    tpu.enqueue_dma source(%dma_start3A_65 : memref<8x2048xf32, #tpu.memory_space<vmem>>) target(%dma_start3A_63 : memref<8x2048xf32, #tpu.memory_space<hbm>>) target_semaphore(%dma_start3A_61 : memref<!tpu.dma_semaphore, #tpu.memory_space<semaphore_mem>>)
    %scan3A_66 = arith.constant 0 : i32
    %scan3A_67 = arith.constant 1 : i32
    %scan3A_68 = arith.constant 10 : i32
    %scan3A_69 = arith.addi %scan3A_67, %scan3A_68 : i32
    %scan3A_70 = arith.constant 1 : i32
    scf.for %scan3A_94 = %scan3A_67 to %scan3A_69 step %scan3A_70  : i32 {
      %rem3A_95 = arith.constant 6 : i32
      %rem3A_96 = arith.remsi %scan3A_94, %rem3A_95 : i32
      %mul3A_97 = arith.constant 8 : i32
      %mul3A_98 = arith.muli %scan3A_94, %mul3A_97 : i32
      %multiple_of3A_99 = tpu.assume_multiple %mul3A_98, 8 : i32
      %mul3A_100 = arith.constant 8 : i32
      %mul3A_101 = arith.muli %rem3A_96, %mul3A_100 : i32
      %multiple_of3A_102 = tpu.assume_multiple %mul3A_101, 8 : i32
      %dma_wait3A_103 = arith.constant 0 : i32
      %dma_wait3A_104 = tpu.memref_slice %arg6[%multiple_of3A_102, %dma_wait3A_103] : memref<48x2048xf32, #tpu.memory_space<vmem>> -> memref<8x2048xf32, #tpu.memory_space<vmem>>
      %dma_wait3A_105 = tpu.memref_slice %arg5[%multiple_of3A_99] : memref<128xi32, #tpu.memory_space<vmem>> -> memref<8xi32, #tpu.memory_space<vmem>>
      %dma_wait3A_106 = arith.constant 0 : i32
      %dma_wait3A_107 = arith.constant 0 : i32
      %dma_wait3A_108 = tpu.memref_slice %arg3[%dma_wait3A_106, %dma_wait3A_107] : memref<1024x2048xf32, #tpu.memory_space<hbm>> -> memref<1024x2048xf32, #tpu.memory_space<hbm>>
      %dma_wait3A_109 = tpu.memref_slice %arg7[%rem3A_96] : memref<6x!tpu.dma_semaphore, #tpu.memory_space<semaphore_mem>> -> memref<1x!tpu.dma_semaphore, #tpu.memory_space<semaphore_mem>>
      %dma_wait3A_110 = tpu.memref_squeeze %dma_wait3A_109 : memref<1x!tpu.dma_semaphore, #tpu.memory_space<semaphore_mem>> -> memref<!tpu.dma_semaphore, #tpu.memory_space<semaphore_mem>>
      tpu.wait_indirect_dma semaphore(%dma_wait3A_110 : memref<!tpu.dma_semaphore, #tpu.memory_space<semaphore_mem>>) src(%dma_wait3A_108 : memref<1024x2048xf32, #tpu.memory_space<hbm>>) dst(%dma_wait3A_104 : memref<8x2048xf32, #tpu.memory_space<vmem>>)
      %rem3A_111 = arith.constant 6 : i32
      %rem3A_112 = arith.remsi %scan3A_94, %rem3A_111 : i32
      %mul3A_113 = arith.constant 8 : i32
      %mul3A_114 = arith.muli %rem3A_112, %mul3A_113 : i32
      %multiple_of3A_115 = tpu.assume_multiple %mul3A_114, 8 : i32
      %mul3A_116 = arith.constant 8 : i32
      %mul3A_117 = arith.muli %scan3A_94, %mul3A_116 : i32
      %add3A_118 = arith.addi %mul3A_2, %mul3A_117 : i32
      %multiple_of3A_119 = tpu.assume_multiple %add3A_118, 8 : i32
      %dma_start3A_120 = arith.constant 0 : i32
      %dma_start3A_121 = tpu.memref_slice %arg6[%multiple_of3A_115, %dma_start3A_120] : memref<48x2048xf32, #tpu.memory_space<vmem>> -> memref<8x2048xf32, #tpu.memory_space<vmem>>
      %dma_start3A_122 = arith.constant 0 : i32
      %dma_start3A_123 = tpu.memref_slice %arg4[%multiple_of3A_119, %dma_start3A_122] : memref<4096x2048xf32, #tpu.memory_space<hbm>> -> memref<8x2048xf32, #tpu.memory_space<hbm>>
      %dma_start3A_124 = tpu.memref_slice %arg8[%rem3A_112] : memref<6x!tpu.dma_semaphore, #tpu.memory_space<semaphore_mem>> -> memref<1x!tpu.dma_semaphore, #tpu.memory_space<semaphore_mem>>
      %dma_start3A_125 = tpu.memref_squeeze %dma_start3A_124 : memref<1x!tpu.dma_semaphore, #tpu.memory_space<semaphore_mem>> -> memref<!tpu.dma_semaphore, #tpu.memory_space<semaphore_mem>>
      %dma_start3A_126 = arith.constant 0 : i32
      %dma_start3A_127 = tpu.memref_slice %arg4[%multiple_of3A_119, %dma_start3A_126] : memref<4096x2048xf32, #tpu.memory_space<hbm>> -> memref<8x2048xf32, #tpu.memory_space<hbm>>
      %dma_start3A_128 = arith.constant 0 : i32
      %dma_start3A_129 = tpu.memref_slice %arg6[%multiple_of3A_115, %dma_start3A_128] : memref<48x2048xf32, #tpu.memory_space<vmem>> -> memref<8x2048xf32, #tpu.memory_space<vmem>>
      tpu.enqueue_dma source(%dma_start3A_129 : memref<8x2048xf32, #tpu.memory_space<vmem>>) target(%dma_start3A_127 : memref<8x2048xf32, #tpu.memory_space<hbm>>) target_semaphore(%dma_start3A_125 : memref<!tpu.dma_semaphore, #tpu.memory_space<semaphore_mem>>)
      %sub3A_130 = arith.constant 1 : i32
      %sub3A_131 = arith.subi %scan3A_94, %sub3A_130 : i32
      %rem3A_132 = arith.constant 6 : i32
      %rem3A_133 = arith.remsi %sub3A_131, %rem3A_132 : i32
      %mul3A_134 = arith.constant 8 : i32
      %mul3A_135 = arith.muli %rem3A_133, %mul3A_134 : i32
      %multiple_of3A_136 = tpu.assume_multiple %mul3A_135, 8 : i32
      %mul3A_137 = arith.constant 8 : i32
      %mul3A_138 = arith.muli %sub3A_131, %mul3A_137 : i32
      %add3A_139 = arith.addi %mul3A_2, %mul3A_138 : i32
      %multiple_of3A_140 = tpu.assume_multiple %add3A_139, 8 : i32
      %dma_wait3A_141 = arith.constant 0 : i32
      %dma_wait3A_142 = tpu.memref_slice %arg6[%multiple_of3A_136, %dma_wait3A_141] : memref<48x2048xf32, #tpu.memory_space<vmem>> -> memref<8x2048xf32, #tpu.memory_space<vmem>>
      %dma_wait3A_143 = arith.constant 0 : i32
      %dma_wait3A_144 = tpu.memref_slice %arg4[%multiple_of3A_140, %dma_wait3A_143] : memref<4096x2048xf32, #tpu.memory_space<hbm>> -> memref<8x2048xf32, #tpu.memory_space<hbm>>
      %dma_wait3A_145 = tpu.memref_slice %arg8[%rem3A_133] : memref<6x!tpu.dma_semaphore, #tpu.memory_space<semaphore_mem>> -> memref<1x!tpu.dma_semaphore, #tpu.memory_space<semaphore_mem>>
      %dma_wait3A_146 = tpu.memref_squeeze %dma_wait3A_145 : memref<1x!tpu.dma_semaphore, #tpu.memory_space<semaphore_mem>> -> memref<!tpu.dma_semaphore, #tpu.memory_space<semaphore_mem>>
      %dma_wait3A_147 = arith.constant 0 : i32
      %dma_wait3A_148 = tpu.memref_slice %arg4[%multiple_of3A_140, %dma_wait3A_147] : memref<4096x2048xf32, #tpu.memory_space<hbm>> -> memref<8x2048xf32, #tpu.memory_space<hbm>>
      %dma_wait3A_149 = arith.constant 0 : i32
      %dma_wait3A_150 = tpu.memref_slice %arg6[%multiple_of3A_136, %dma_wait3A_149] : memref<48x2048xf32, #tpu.memory_space<vmem>> -> memref<8x2048xf32, #tpu.memory_space<vmem>>
      tpu.wait_dma2 semaphore(%dma_wait3A_146 : memref<!tpu.dma_semaphore, #tpu.memory_space<semaphore_mem>>) src(%dma_wait3A_150 : memref<8x2048xf32, #tpu.memory_space<vmem>>) dst(%dma_wait3A_148 : memref<8x2048xf32, #tpu.memory_space<hbm>>)
      %add3A_151 = arith.constant 6 : i32
      %add3A_152 = arith.addi %scan3A_94, %add3A_151 : i32
      %sub3A_153 = arith.constant 1 : i32
      %sub3A_154 = arith.subi %add3A_152, %sub3A_153 : i32
      %rem3A_155 = arith.constant 6 : i32
      %rem3A_156 = arith.remsi %sub3A_154, %rem3A_155 : i32
      %mul3A_157 = arith.constant 8 : i32
      %mul3A_158 = arith.muli %sub3A_154, %mul3A_157 : i32
      %multiple_of3A_159 = tpu.assume_multiple %mul3A_158, 8 : i32
      %mul3A_160 = arith.constant 8 : i32
      %mul3A_161 = arith.muli %rem3A_156, %mul3A_160 : i32
      %multiple_of3A_162 = tpu.assume_multiple %mul3A_161, 8 : i32
      %dma_start3A_163 = arith.constant 0 : i32
      %dma_start3A_164 = tpu.memref_slice %arg6[%multiple_of3A_162, %dma_start3A_163] : memref<48x2048xf32, #tpu.memory_space<vmem>> -> memref<8x2048xf32, #tpu.memory_space<vmem>>
      %dma_start3A_165 = tpu.memref_slice %arg5[%multiple_of3A_159] : memref<128xi32, #tpu.memory_space<vmem>> -> memref<8xi32, #tpu.memory_space<vmem>>
      %dma_start3A_166 = arith.constant 0 : i32
      %dma_start3A_167 = arith.constant 0 : i32
      %dma_start3A_168 = tpu.memref_slice %arg3[%dma_start3A_166, %dma_start3A_167] : memref<1024x2048xf32, #tpu.memory_space<hbm>> -> memref<1024x2048xf32, #tpu.memory_space<hbm>>
      %dma_start3A_169 = tpu.memref_slice %arg7[%rem3A_156] : memref<6x!tpu.dma_semaphore, #tpu.memory_space<semaphore_mem>> -> memref<1x!tpu.dma_semaphore, #tpu.memory_space<semaphore_mem>>
      %dma_start3A_170 = tpu.memref_squeeze %dma_start3A_169 : memref<1x!tpu.dma_semaphore, #tpu.memory_space<semaphore_mem>> -> memref<!tpu.dma_semaphore, #tpu.memory_space<semaphore_mem>>
      tpu.enqueue_indirect_dma source(%dma_start3A_168 : memref<1024x2048xf32, #tpu.memory_space<hbm>>) target(%dma_start3A_164 : memref<8x2048xf32, #tpu.memory_space<vmem>>) offsets(%dma_start3A_165 : memref<8xi32, #tpu.memory_space<vmem>>) semaphore(%dma_start3A_170 : memref<!tpu.dma_semaphore, #tpu.memory_space<semaphore_mem>>)
    }
    %scan3A_71 = arith.constant 10 : i32
    %scan3A_72 = arith.constant 0 : i32
    %scan3A_73 = arith.constant 11 : i32
    %scan3A_74 = arith.constant 5 : i32
    %scan3A_75 = arith.addi %scan3A_73, %scan3A_74 : i32
    %scan3A_76 = arith.constant 1 : i32
    scf.for %scan3A_94 = %scan3A_73 to %scan3A_75 step %scan3A_76  : i32 {
      %rem3A_95 = arith.constant 6 : i32
      %rem3A_96 = arith.remsi %scan3A_94, %rem3A_95 : i32
      %mul3A_97 = arith.constant 8 : i32
      %mul3A_98 = arith.muli %scan3A_94, %mul3A_97 : i32
      %multiple_of3A_99 = tpu.assume_multiple %mul3A_98, 8 : i32
      %mul3A_100 = arith.constant 8 : i32
      %mul3A_101 = arith.muli %rem3A_96, %mul3A_100 : i32
      %multiple_of3A_102 = tpu.assume_multiple %mul3A_101, 8 : i32
      %dma_wait3A_103 = arith.constant 0 : i32
      %dma_wait3A_104 = tpu.memref_slice %arg6[%multiple_of3A_102, %dma_wait3A_103] : memref<48x2048xf32, #tpu.memory_space<vmem>> -> memref<8x2048xf32, #tpu.memory_space<vmem>>
      %dma_wait3A_105 = tpu.memref_slice %arg5[%multiple_of3A_99] : memref<128xi32, #tpu.memory_space<vmem>> -> memref<8xi32, #tpu.memory_space<vmem>>
      %dma_wait3A_106 = arith.constant 0 : i32
      %dma_wait3A_107 = arith.constant 0 : i32
      %dma_wait3A_108 = tpu.memref_slice %arg3[%dma_wait3A_106, %dma_wait3A_107] : memref<1024x2048xf32, #tpu.memory_space<hbm>> -> memref<1024x2048xf32, #tpu.memory_space<hbm>>
      %dma_wait3A_109 = tpu.memref_slice %arg7[%rem3A_96] : memref<6x!tpu.dma_semaphore, #tpu.memory_space<semaphore_mem>> -> memref<1x!tpu.dma_semaphore, #tpu.memory_space<semaphore_mem>>
      %dma_wait3A_110 = tpu.memref_squeeze %dma_wait3A_109 : memref<1x!tpu.dma_semaphore, #tpu.memory_space<semaphore_mem>> -> memref<!tpu.dma_semaphore, #tpu.memory_space<semaphore_mem>>
      tpu.wait_indirect_dma semaphore(%dma_wait3A_110 : memref<!tpu.dma_semaphore, #tpu.memory_space<semaphore_mem>>) src(%dma_wait3A_108 : memref<1024x2048xf32, #tpu.memory_space<hbm>>) dst(%dma_wait3A_104 : memref<8x2048xf32, #tpu.memory_space<vmem>>)
      %rem3A_111 = arith.constant 6 : i32
      %rem3A_112 = arith.remsi %scan3A_94, %rem3A_111 : i32
      %mul3A_113 = arith.constant 8 : i32
      %mul3A_114 = arith.muli %rem3A_112, %mul3A_113 : i32
      %multiple_of3A_115 = tpu.assume_multiple %mul3A_114, 8 : i32
      %mul3A_116 = arith.constant 8 : i32
      %mul3A_117 = arith.muli %scan3A_94, %mul3A_116 : i32
      %add3A_118 = arith.addi %mul3A_2, %mul3A_117 : i32
      %multiple_of3A_119 = tpu.assume_multiple %add3A_118, 8 : i32
      %dma_start3A_120 = arith.constant 0 : i32
      %dma_start3A_121 = tpu.memref_slice %arg6[%multiple_of3A_115, %dma_start3A_120] : memref<48x2048xf32, #tpu.memory_space<vmem>> -> memref<8x2048xf32, #tpu.memory_space<vmem>>
      %dma_start3A_122 = arith.constant 0 : i32
      %dma_start3A_123 = tpu.memref_slice %arg4[%multiple_of3A_119, %dma_start3A_122] : memref<4096x2048xf32, #tpu.memory_space<hbm>> -> memref<8x2048xf32, #tpu.memory_space<hbm>>
      %dma_start3A_124 = tpu.memref_slice %arg8[%rem3A_112] : memref<6x!tpu.dma_semaphore, #tpu.memory_space<semaphore_mem>> -> memref<1x!tpu.dma_semaphore, #tpu.memory_space<semaphore_mem>>
      %dma_start3A_125 = tpu.memref_squeeze %dma_start3A_124 : memref<1x!tpu.dma_semaphore, #tpu.memory_space<semaphore_mem>> -> memref<!tpu.dma_semaphore, #tpu.memory_space<semaphore_mem>>
      %dma_start3A_126 = arith.constant 0 : i32
      %dma_start3A_127 = tpu.memref_slice %arg4[%multiple_of3A_119, %dma_start3A_126] : memref<4096x2048xf32, #tpu.memory_space<hbm>> -> memref<8x2048xf32, #tpu.memory_space<hbm>>
      %dma_start3A_128 = arith.constant 0 : i32
      %dma_start3A_129 = tpu.memref_slice %arg6[%multiple_of3A_115, %dma_start3A_128] : memref<48x2048xf32, #tpu.memory_space<vmem>> -> memref<8x2048xf32, #tpu.memory_space<vmem>>
      tpu.enqueue_dma source(%dma_start3A_129 : memref<8x2048xf32, #tpu.memory_space<vmem>>) target(%dma_start3A_127 : memref<8x2048xf32, #tpu.memory_space<hbm>>) target_semaphore(%dma_start3A_125 : memref<!tpu.dma_semaphore, #tpu.memory_space<semaphore_mem>>)
      %sub3A_130 = arith.constant 1 : i32
      %sub3A_131 = arith.subi %scan3A_94, %sub3A_130 : i32
      %rem3A_132 = arith.constant 6 : i32
      %rem3A_133 = arith.remsi %sub3A_131, %rem3A_132 : i32
      %mul3A_134 = arith.constant 8 : i32
      %mul3A_135 = arith.muli %rem3A_133, %mul3A_134 : i32
      %multiple_of3A_136 = tpu.assume_multiple %mul3A_135, 8 : i32
      %mul3A_137 = arith.constant 8 : i32
      %mul3A_138 = arith.muli %sub3A_131, %mul3A_137 : i32
      %add3A_139 = arith.addi %mul3A_2, %mul3A_138 : i32
      %multiple_of3A_140 = tpu.assume_multiple %add3A_139, 8 : i32
      %dma_wait3A_141 = arith.constant 0 : i32
      %dma_wait3A_142 = tpu.memref_slice %arg6[%multiple_of3A_136, %dma_wait3A_141] : memref<48x2048xf32, #tpu.memory_space<vmem>> -> memref<8x2048xf32, #tpu.memory_space<vmem>>
      %dma_wait3A_143 = arith.constant 0 : i32
      %dma_wait3A_144 = tpu.memref_slice %arg4[%multiple_of3A_140, %dma_wait3A_143] : memref<4096x2048xf32, #tpu.memory_space<hbm>> -> memref<8x2048xf32, #tpu.memory_space<hbm>>
      %dma_wait3A_145 = tpu.memref_slice %arg8[%rem3A_133] : memref<6x!tpu.dma_semaphore, #tpu.memory_space<semaphore_mem>> -> memref<1x!tpu.dma_semaphore, #tpu.memory_space<semaphore_mem>>
      %dma_wait3A_146 = tpu.memref_squeeze %dma_wait3A_145 : memref<1x!tpu.dma_semaphore, #tpu.memory_space<semaphore_mem>> -> memref<!tpu.dma_semaphore, #tpu.memory_space<semaphore_mem>>
      %dma_wait3A_147 = arith.constant 0 : i32
      %dma_wait3A_148 = tpu.memref_slice %arg4[%multiple_of3A_140, %dma_wait3A_147] : memref<4096x2048xf32, #tpu.memory_space<hbm>> -> memref<8x2048xf32, #tpu.memory_space<hbm>>
      %dma_wait3A_149 = arith.constant 0 : i32
      %dma_wait3A_150 = tpu.memref_slice %arg6[%multiple_of3A_136, %dma_wait3A_149] : memref<48x2048xf32, #tpu.memory_space<vmem>> -> memref<8x2048xf32, #tpu.memory_space<vmem>>
      tpu.wait_dma2 semaphore(%dma_wait3A_146 : memref<!tpu.dma_semaphore, #tpu.memory_space<semaphore_mem>>) src(%dma_wait3A_150 : memref<8x2048xf32, #tpu.memory_space<vmem>>) dst(%dma_wait3A_148 : memref<8x2048xf32, #tpu.memory_space<hbm>>)
    }
    %scan3A_77 = arith.constant 5 : i32
    %multiple_of3A_78 = arith.constant 24 : i32
    %multiple_of3A_79 = tpu.assume_multiple %multiple_of3A_78, 8 : i32
    %add3A_80 = arith.constant 120 : i32
    %add3A_81 = arith.addi %mul3A_2, %add3A_80 : i32
    %multiple_of3A_82 = tpu.assume_multiple %add3A_81, 8 : i32
    %dma_wait3A_83 = arith.constant 3 : i32
    %dma_wait3A_84 = arith.constant 0 : i32
    %dma_wait3A_85 = tpu.memref_slice %arg6[%multiple_of3A_79, %dma_wait3A_84] : memref<48x2048xf32, #tpu.memory_space<vmem>> -> memref<8x2048xf32, #tpu.memory_space<vmem>>
    %dma_wait3A_86 = arith.constant 0 : i32
    %dma_wait3A_87 = tpu.memref_slice %arg4[%multiple_of3A_82, %dma_wait3A_86] : memref<4096x2048xf32, #tpu.memory_space<hbm>> -> memref<8x2048xf32, #tpu.memory_space<hbm>>
    %dma_wait3A_88 = tpu.memref_slice %arg8[%dma_wait3A_83] : memref<6x!tpu.dma_semaphore, #tpu.memory_space<semaphore_mem>> -> memref<1x!tpu.dma_semaphore, #tpu.memory_space<semaphore_mem>>
    %dma_wait3A_89 = tpu.memref_squeeze %dma_wait3A_88 : memref<1x!tpu.dma_semaphore, #tpu.memory_space<semaphore_mem>> -> memref<!tpu.dma_semaphore, #tpu.memory_space<semaphore_mem>>
    %dma_wait3A_90 = arith.constant 0 : i32
    %dma_wait3A_91 = tpu.memref_slice %arg4[%multiple_of3A_82, %dma_wait3A_90] : memref<4096x2048xf32, #tpu.memory_space<hbm>> -> memref<8x2048xf32, #tpu.memory_space<hbm>>
    %dma_wait3A_92 = arith.constant 0 : i32
    %dma_wait3A_93 = tpu.memref_slice %arg6[%multiple_of3A_79, %dma_wait3A_92] : memref<48x2048xf32, #tpu.memory_space<vmem>> -> memref<8x2048xf32, #tpu.memory_space<vmem>>
    tpu.wait_dma2 semaphore(%dma_wait3A_89 : memref<!tpu.dma_semaphore, #tpu.memory_space<semaphore_mem>>) src(%dma_wait3A_93 : memref<8x2048xf32, #tpu.memory_space<vmem>>) dst(%dma_wait3A_91 : memref<8x2048xf32, #tpu.memory_space<hbm>>)
    return
  }
}

</mosaic_0001>

<sc_bundles>
// kernel: kernel.3.cloned.1.call-start
scs
__scs_entry_jumppad:
0x0: {  	(pc) =	sbr.rel $0x88, $3  }
0x1: {  	(tag) =	ssettag $0x0;
	lr =	simm.s32 $0x1  }
0x2: {  	[smem:$0x3F9F] =	sst lr;
	_ =	strace $0xD0000000  }
0x3: {  	_ = 	snop  }
0x4: {  	_ = 	snop  }
0x5: {  	_ = 	snop  }
0x6: {  	_ = 	snop  }
0x7: {  	_ = 	snop  }
__scs_overlays_trampoline_lowered:
0x8: {  	[smem:$0x3FAE] =	sst s0  }
0x9: {  	[smem:$0x3FAF] =	sst s1  }
0xa: {  	[smem:$0x3FB0] =	sst s2  }
0xb: {  	[smem:$0x3FB1] =	sst s3  }
0xc: {  	[smem:$0x3FB2] =	sst s4  }
0xd: {  	[smem:$0x3FB3] =	sst s5  }
0xe: {  	[smem:$0x3FB4] =	sst s6  }
0xf: {  	[smem:$0x3FB5] =	sst s7  }
0x10: {  	[smem:$0x3FB6] =	sst s8  }
0x11: {  	[smem:$0x3FB7] =	sst s9;
	s0 =	simm.s32 @!p0 $0x0  }
0x12: {  	s1 =	sld [smem:$0x3F9D];
	s0 =	simm.s32 @p0 $0x1  }
0x13: {  	[smem:$0x3FB8] =	sst s0;
	s0 =	simm.s32 @!p1 $0x0  }
0x14: {  	s2 =	sld [smem:$0x3F9C];
	s0 =	simm.s32 @p1 $0x1  }
0x15: {  	[smem:$0x3FB9] =	sst s0;
	s0 =	simm.s32 @!p2 $0x0  }
0x16: {  	s3 =	sld [smem:$0x3FDB];
	s0 =	simm.s32 @p2 $0x1  }
0x17: {  	s4 =	simm.s32 $0x1BF5;
	[smem:$0x3FBB] =	sst s0  }
0x18: {  	s0 =	sld [smem:$0x3F9E];
	_ =	swait.ge [sflag:s4], $0x0  }
0x19: {  	s7 =	sld [smem:$0x3F9F]  }
0x1a: {  	s8 =	sadd.s32 $0xFFFFE003, lr  }
0x1b: {  	s9 =	sadd.s32 $0xFFFFFEF7, lr;
	s5 =	simm.s32 $0xFFFFFFFF;
	p2 =	slt.u32 s8, $0xFFFFF086  }
0x1c: {  	p1 =	slt.u32 s9, $0xF7A;
	s5 =	simm.s32 @!p2 $0x0  }
0x1d: {  	s5 =	simm.s32 @p1 $0x1;
	p0 =	seq.s32 s7, s2  }
0x1e: {  	s7 =	smul.u32 @!p0 $0xF7A, s2;
	p2 =	seq.s32 @!p0 s5, $0x0  }
0x1f: {  	s9 =	smul.u32 $0xF7A, s1;
	s8 =	simm.s32 @!p0 $0x1BF5;
	p2 =	por !p2, p0  }
0x20: {  	[sflag:s8] =	ssyncset.s32 @!p0 $0xFFFFF086;
	s6 =	sadd.s32 @!p0 s3, s7;
	s7 =	simm.s32 @!p0 $0x108  }
0x21: {  	s3 =	sadd.s32 s3, s9;
	s6 =	sadd.s32 @!p0 $0x88, s6;
	s7 =	simm.s32 @p2 $0x1082  }
0x22: {  	[simem:s7], [sflag:s8] =	dma.local @!p0 [hbm:s6], $0xF7A  }
0x23: {  	s9 =	sor.u32 $0xD0000000, s2;
	s6 =	simm.s32 $0x108;
	_ =	swait.ge @!p0 [sflag:s8], $0x0  }
0x24: {  	s3 =	sadd.s32 $0x88, s3;
	s6 =	simm.s32 @!p1 $0x1082;
	[sflag:s4] =	ssyncset.s32 $0xFFFFF086  }
0x25: {  	[simem:s6], [sflag:s4] =	dma.local [hbm:s3], $0xF7A  }
0x26: {  	[smem:$0x3F9F] =	sst s1;
	(tag) =	ssettag s2;
	_ =	strace s9  }
0x27: {  	s1 =	sld [smem:$0x3FAF]  }
0x28: {  	s2 =	sld [smem:$0x3FB0]  }
0x29: {  	s4 =	sld [smem:$0x3FB2]  }
0x2a: {  	p0 =	seq.s32 s5, $0x0;
	s5 =	sld [smem:$0x3FB3]  }
0x2b: {  	s6 =	sld [smem:$0x3FB4]  }
0x2c: {  	s7 =	sld [smem:$0x3FB5]  }
0x2d: {  	s3 =	simm.s32 $0x108;
	s8 =	sld [smem:$0x3FB6]  }
0x2e: {  	s3 =	simm.s32 @!p0 $0x1082;
	s9 =	sld [smem:$0x3FB7]  }
0x2f: {  	lr =	sadd.s32 s0, s3;
	s0 =	sld [smem:$0x3FAE]  }
0x30: {  	s3 =	sld [smem:$0x3FB1]  }
0x31: {  	[smem:$0x3FBA] =	sst s10  }
0x32: {  	s10 =	sld [smem:$0x3FB8];
	_ =	sdelay $0x3  }
0x33: {  	p0 =	seq.s32 s10, $0x1;
	s10 =	sld [smem:$0x3FBA];
	_ =	sdelay $0x3  }
0x34: {  	[smem:$0x3FBA] =	sst s10  }
0x35: {  	s10 =	sld [smem:$0x3FB9];
	_ =	sdelay $0x3  }
0x36: {  	p1 =	seq.s32 s10, $0x1;
	s10 =	sld [smem:$0x3FBA];
	_ =	sdelay $0x3  }
0x37: {  	[smem:$0x3FBA] =	sst s10  }
0x38: {  	s10 =	sld [smem:$0x3FBB]  }
0x39: {  	_ = 	snop;
	(pc) =	sbr.ind lr, $3  }
0x3a: {  	_ = 	snop  }
0x3b: {  	_ = 	snop  }
0x3c: {  	p2 =	seq.s32 s10, $0x1;
	s10 =	sld [smem:$0x3FBA]  }
0x3d: {  	_ =	shalt  }
0x3e: {  	_ =	shalt  }
0x3f: {  	_ =	shalt  }
0x40: {  	_ =	shalt  }
0x41: {  	_ =	shalt  }
0x42: {  	_ =	shalt  }
0x43: {  	_ =	shalt  }
0x44: {  	_ =	shalt  }
0x45: {  	_ =	shalt  }
0x46: {  	_ =	shalt  }
0x47: {  	_ =	shalt  }
0x48: {  	_ =	shalt  }
0x49: {  	_ =	shalt  }
0x4a: {  	_ =	shalt  }
0x4b: {  	_ =	shalt  }
0x4c: {  	_ =	shalt  }
0x4d: {  	_ =	shalt  }
0x4e: {  	_ =	shalt  }
0x4f: {  	_ =	shalt  }
0x50: {  	_ =	shalt  }
0x51: {  	_ =	shalt  }
0x52: {  	_ =	shalt  }
0x53: {  	_ =	shalt  }
0x54: {  	_ =	shalt  }
0x55: {  	_ =	shalt  }
0x56: {  	_ =	shalt  }
0x57: {  	_ =	shalt  }
0x58: {  	_ =	shalt  }
0x59: {  	_ =	shalt  }
0x5a: {  	_ =	shalt  }
0x5b: {  	_ =	shalt  }
0x5c: {  	_ =	shalt  }
0x5d: {  	_ =	shalt  }
0x5e: {  	_ =	shalt  }
0x5f: {  	_ =	shalt  }
0x60: {  	_ =	shalt  }
0x61: {  	_ =	shalt  }
0x62: {  	_ =	shalt  }
0x63: {  	_ =	shalt  }
0x64: {  	_ =	shalt  }
0x65: {  	_ =	shalt  }
0x66: {  	_ =	shalt  }
0x67: {  	_ =	shalt  }
0x68: {  	_ =	shalt  }
0x69: {  	_ =	shalt  }
0x6a: {  	_ =	shalt  }
0x6b: {  	_ =	shalt  }
0x6c: {  	_ =	shalt  }
0x6d: {  	_ =	shalt  }
0x6e: {  	_ =	shalt  }
0x6f: {  	_ =	shalt  }
0x70: {  	_ =	shalt  }
0x71: {  	_ =	shalt  }
0x72: {  	_ =	shalt  }
0x73: {  	_ =	shalt  }
0x74: {  	_ =	shalt  }
0x75: {  	_ =	shalt  }
0x76: {  	_ =	shalt  }
0x77: {  	_ =	shalt  }
0x78: {  	_ =	shalt  }
0x79: {  	_ =	shalt  }
0x7a: {  	_ =	shalt  }
0x7b: {  	_ =	shalt  }
0x7c: {  	_ =	shalt  }
0x7d: {  	_ =	shalt  }
0x7e: {  	_ =	shalt  }
0x7f: {  	_ =	shalt  }
0x80: {  	_ =	shalt  }
0x81: {  	_ =	shalt  }
0x82: {  	_ =	shalt  }
0x83: {  	_ =	shalt  }
0x84: {  	_ =	shalt  }
0x85: {  	_ =	shalt  }
0x86: {  	_ =	shalt  }
0x87: {  	_ =	shalt  }
.Lfunc_end0:
.L_simem_size_0:
called_computation_lowered:
.L_overlay_start_0:
0x88: {  	s2 =	sld [smem:$0x3FD9]  }
0x89: {  	s3 =	sld [smem:$0x3FFE];
	_ =	sdelay $0x1  }
0x8a: {  	s1 =	srdreg.scid  }
0x8b: {  	s0 =	sand.u32 $0x1, s1  }
0x8c: {  	s18 =	sshll.u32 s0, $0xA;
	s2 =	sadd.s32 s3, s2  }
0x8d: {  	s2 =	sadd.s32 s2, s18  }
0x8e: {  	[smem:$0x3FC6] =	sst s2  }
0x8f: {  	_ = 	snop  }
0x90: {  	s2 =	sld [smem:$0x3FC9]  }
0x91: {  	s19 =	sld [smem:$0x3FC8]  }
0x92: {  	s4 =	sld [smem:$0x3FD0];
	(tm) =	ssettm $0x1  }
0x93: {  	s5 =	sld [smem:$0x3FFB];
	_ =	sdelay $0x3  }
0x94: {  	_ =	strace s5  }
0x95: {  	s5 =	sld [smem:$0x3FFC];
	_ =	sdelay $0x3  }
0x96: {  	_ =	strace s5  }
0x97: {  	s5 =	sld [smem:$0x3FFD];
	_ =	sdelay $0x3  }
0x98: {  	_ =	strace s5  }
0x99: {  	_ =	strace $0x8FFFFFFF  }
0x9a: {  	s20 =	sld [smem:$0x3FDB];
	_ =	sdelay $0x1  }
0x9b: {  	s6 =	simm.s32 $_scs_section_size  }
0x9c: {  	s7 =	simm.s32 $_size__tile_overlayer_lowered;
	s8 =	simm.s32 $_tile_overlayer_lowered  }
0x9d: {  	s23 =	simm.s32 $0x1BFF;
	s22 =	sshll.u32 s8, $0x1;
	s5 =	sadd.s32 s6, s20  }
0x9e: {  	s9 =	simm.s32 $0x0;
	s21 =	sshll.u32 s7, $0x1;
	s7 =	sadd.s32 s22, s5  }
0x9f: {  	[timem:s9], [sflag:s23] =	dma.local [hbm:s7], s21  }
0xa0: {  	_ =	swait.ge [sflag:s23], s21  }
0xa1: {  	s6 =	ssub.s32 $0x0, s21;
	[sflag:s23] =	ssyncset.done $0x0  }
0xa2: {  	[sflag:s23] =	ssyncadd.s32 s6;
	_ =	sdelay $0x1  }
0xa3: {  	s24 =	simm.s32 $0x1B8B  }
0xa4: {  	_ =	swait.ge [sflag:s24], $0x1  }
0xa5: {  	[sflag:s24] =	ssyncset.done $0x0  }
0xa6: {  	s25 =	simm.s32 $0x1B8E;
	[sflag:s24] =	ssyncadd.s32 $0xFFFFFFFF  }
0xa7: {  	s26 =	simm.s32 $execute0_lowered;
	[smem:$0x3FD2] =	sst s25  }
0xa8: {  	s6 =	sshll.u32 s26, $0x1;
	_ =	strace $0x80000046;
	[dreg:$0x1] =	wrdreg $0xFFFFFFFF  }
0xa9: {  	s28 =	simm.s32 $_size_execute0_lowered;
	s5 =	sadd.s32 s5, s6;
	[dreg:$0x0] =	wrdreg $0x0  }
0xaa: {  	s6 =	sshll.u32 s28, $0x1;
	[dreg:$0x2] =	wrdreg s5  }
0xab: {  	[dreg:$0x3] =	wrdreg s6  }
0xac: {  	[dreg:$0x4] =	wrdreg $0xC0  }
0xad: {  	_ =	task [dreg:s9], $0x5FFFF  }
0xae: {  	[dreg:$0x1] =	wrdreg $0xFFFFFFFF  }
0xaf: {  	[dreg:$0x0] =	wrdreg $0x60  }
0xb0: {  	[dreg:$0x2] =	wrdreg s2  }
0xb1: {  	[dreg:$0x3] =	wrdreg s19  }
0xb2: {  	[dreg:$0x4] =	wrdreg s4  }
0xb3: {  	[dreg:$0x5] =	wrdreg $0x9  }
0xb4: {  	_ =	task.clear_ibuf [dreg:s9], $0x6FFFF;
	_ =	strace $0x90000046  }
0xb5: {  	s29 =	simm.s32 $0x9;
	_ =	strace $0x80000048  }
0xb6: {  	_ =	swait.ge [sflag:s29], $0x1  }
0xb7: {  	[sflag:s29] =	ssyncadd.s32 $0xFFFFFFFF  }
0xb8: {  	_ =	strace $0x90000048  }
0xb9: {  	_ =	sfence  }
0xba: {  	s30 =	sld [smem:$0x0];
	_ =	sdelay $0x2  }
0xbb: {  	s31 =	sshll.u32 s1, $0xD;
	s1 =	sshrl.u32 s1, $0x2  }
0xbc: {  	s3 =	sand.u32 $0x4000, s31;
	s1 =	sadd.s32 s1, s30  }
0xbd: {  	s0 =	sor.u32 s3, s0;
	s1 =	sshll.u32 s1, $0x11  }
0xbe: {  	s0 =	sor.u32 s1, s0  }
0xbf: {  	s0 =	sadd.s32 $0x8F2B, s0  }
0xc0: {  	[sflag:s0] =	ssyncadd.remote.s32 $0x1  }
0xc1: {  	_ =	sfence.sel $0xFFFF  }
0xc2: {  	[dreg:$0x0] =	wrdreg $0xFFFFFFFF;
	(pc) =	sbr.abs _section_cstart, $3  }
0xc3: {  	[dreg:$0x1] =	wrdreg $0xFFFFFFFF  }
0xc4: {  	_ =	task.clear_ibuf [dreg:s9], $0x2FFFF;
	_ =	strace $0x9FFFFFFF  }
0xc5: {  	(tm) =	ssettm $0x7FFFFFFF  }
tec
execute0_lowered:
.L_overlay_start_1:
0x0: {  	(tag) =	ssettag $0x1  }
0x1: {  	s0 =	rddreg [dreg:$0x0]  }
0x2: {  	s1 =	rddreg [dreg:$0x1]  }
0x3: {  	s2 =	rddreg [dreg:$0x2];
	s3 =	simm.s32 $0x0;
	s4 =	srdreg.scid  }
0x4: {  	s14 =	stileid.u32;
	s31 =	simm.s32 $0x3;
	s29 =	simm.s32 $0xA  }
0x5: {  	[smem:$0x7FF] =	sst s3;
	s4 =	sand.u32 $0x1, s4;
	s5 =	sshll.u32 s14, $0x1  }
0x6: {  	s18 =	sshll.u32 s14, $0x2;
	s9 =	sadd.s32 $0x500, s1;
	s10 =	sadd.s32 $0x600, s1  }
0x7: {  	s11 =	sadd.s32 $0x700, s1;
	s22 =	sshll.u32 s14, $0x10;
	_ =	strace $0x80000047  }
0x8: {  	s6 =	ssub.s32 $0x2, s4;
	s12 =	sor.u32 s4, s5;
	s5 =	sand.u32 $0x30, s18  }
0x9: {  	s7 =	sshrl.u32 s6, $0x1;
	s8 =	sshll.u32 s12, $0x6;
	s20 =	sshll.u32 s12, $0xF  }
0xa: {  	s0 =	sadd.s32 s0, s5;
	s19 =	sand.u32 $0x1C0, s8;
	s12 =	sadd.s32 s2, s20  }
0xb: {  	s13 =	ssub.s32 s6, s7;
	s0 =	sadd.s32 s19, s0;
	[dreg:$0x5] =	wrdreg s12  }
0xc: {  	s24 =	sshll.u32 s4, $0xF;
	s21 =	smax.u32 s13, $0x1;
	[dreg:$0x4] =	wrdreg s0  }
0xd: {  	s4 =	simm.s32 $0x0;
	s23 =	sadd.s32 $0x5800, s12;
	[dreg:$0x6] =	wrdreg s21  }
0xe: {  	s5 =	sadd.s32 $0x100, s1;
	s25 =	sadd.s32 $0x6000, s12;
	[dreg:$0x7] =	wrdreg s23  }
0xf: {  	s6 =	sadd.s32 $0x200, s1;
	s26 =	sadd.s32 $0x6800, s12;
	[dreg:$0x8] =	wrdreg s25  }
0x10: {  	s7 =	sadd.s32 $0x300, s1;
	s28 =	sadd.s32 $0x7000, s12;
	[dreg:$0x9] =	wrdreg s26  }
0x11: {  	s8 =	sadd.s32 $0x400, s1;
	s30 =	sadd.s32 $0x7800, s12;
	[dreg:$0xa] =	wrdreg s28  }
0x12: {  	v0 =	vlaneseq.u32;
	s0 =	sadd.s32 s22, s2;
	[dreg:$0xb] =	wrdreg s30;
	s21 =	simm.s32 $0x1  }
0x13: {  	v1 =	vshrl.u32 v0, $0x3;
	s25 =	simm.s32 $0x80;
	s2 =	simm.s32 $0x8;
	s0 =	sadd.s32 s24, s0  }
0x14: {  	vm0 =	vmmov $0xffff;
	v0 =	vand.u32 $0x7, v0;
	v1 =	vmul.u32 $0x8, v1;
	s24 =	simm.s32 $0x4;
	s16 =	sadd.s32 $0x800, s0;
	s0 =	simm.s32 $0x9  }
.LBB2_1:
0x15: {  	s12 =	rddreg [dreg:$0x4];
	s18 =	simm.s32 $0xD  }
0x16: {  	[tilespmem:s3], [sflag:$0xD] =	stream.linear.gather [hbm4b:s12+s3], $0x80, $0x38;
	[tilespmem:$0x18080] =	vst v63  }
0x17: {  	_ =	swait.ge [sflag:s18], $0x80  }
0x18: {  	[sflag:s18] =	ssyncset.done $0x0  }
0x19: {  	[sflag:s18] =	ssyncadd.s32 $0xFFFFFF80  }
0x1a: {  	v2 =	vld.msk [tilespmem:s3+$0x0], $0xff;
	_ =	sdelay $0x4  }
0x1b: {  	v3 =	vshll.u32 v2, $0x4  }
0x1c: {  	v2 =	vand.u32 $0x7, v2;
	v3 =	vand.u32 $0xFFFFFF80, v3  }
0x1d: {  	v2 =	vor.u32 v2, v3  }
0x1e: {  	v2 =	vperm.xlane v2, v0;
	_ =	sdelay $0x1  }
0x1f: {  	v2 =	vadd.s32 v1, v2;
	_ =	sdelay $0x3  }
0x20: {  	s19 =	simm.s32 $0x80  }
0x21: {  	[tilespmem:s19], [sflag:s21] =	stream.indirect_vreg.gather [hbm4b:s1+s3], $0x80, v2, vm0, $0xb8;
	[tilespmem:$0x18080] =	vst v63  }
0x22: {  	s20 =	simm.s32 $0x880  }
0x23: {  	[tilespmem:s20], [sflag:s21] =	stream.indirect_vreg.gather [hbm4b:s5+s3], $0x80, v2, vm0, $0xb8;
	[tilespmem:$0x18080] =	vst v63  }
0x24: {  	s22 =	simm.s32 $0x1080  }
0x25: {  	[tilespmem:s22], [sflag:s21] =	stream.indirect_vreg.gather [hbm4b:s6+s3], $0x80, v2, vm0, $0xb8;
	[tilespmem:$0x18080] =	vst v63  }
0x26: {  	s23 =	simm.s32 $0x1880  }
0x27: {  	[tilespmem:s23], [sflag:s21] =	stream.indirect_vreg.gather [hbm4b:s7+s3], $0x80, v2, vm0, $0xb8;
	[tilespmem:$0x18080] =	vst v63  }
0x28: {  	s26 =	simm.s32 $0x2080;
	s28 =	simm.s32 $0x2880  }
0x29: {  	[tilespmem:s26], [sflag:s21] =	stream.indirect_vreg.gather [hbm4b:s8+s3], $0x80, v2, vm0, $0xb8;
	[tilespmem:$0x18080] =	vst v63  }
0x2a: {  	s30 =	simm.s32 $0x3080;
	s17 =	simm.s32 $0x3880;
	s13 =	simm.s32 $0x8  }
0x2b: {  	[tilespmem:s28], [sflag:s21] =	stream.indirect_vreg.gather [hbm4b:s9+s3], $0x80, v2, vm0, $0xb8;
	[tilespmem:$0x18080] =	vst v63  }
0x2c: {  	s14 =	simm.s32 $0x2;
	s15 =	simm.s32 $0x1;
	s12 =	simm.s32 $0x10000  }
0x2d: {  	[tilespmem:s30], [sflag:s21] =	stream.indirect_vreg.gather [hbm4b:s10+s3], $0x80, v2, vm0, $0xb8;
	[tilespmem:$0x18080] =	vst v63  }
.LBB2_2:
0x2e: {  	[tilespmem:s17], [sflag:s15] =	stream.indirect_vreg.gather [hbm4b:s11+s3], $0x80, v2, vm0, $0xb8;
	[tilespmem:$0x18080] =	vst v63  }
0x2f: {  	p0 =	sne.s32 s12, $0x50000;
	s17 =	smov.u32 s12;
	s12 =	sadd.s32 $0x10000, s12;
	v2 =	vld.msk [tilespmem:s13+$0x0], $0xff  }
0x30: {  	s15 =	smov.u32 s14;
	_ =	sdelay $0x3  }
0x31: {  	v3 =	vshll.u32 v2, $0x4  }
0x32: {  	v2 =	vand.u32 $0x7, v2;
	v3 =	vand.u32 $0xFFFFFF80, v3  }
0x33: {  	v2 =	vor.u32 v2, v3  }
0x34: {  	v2 =	vperm.xlane v2, v0;
	_ =	sdelay $0x1  }
0x35: {  	v2 =	vadd.s32 v1, v2;
	_ =	sdelay $0x2  }
0x36: {  	s17 =	sshra.s32 s17, $0x2  }
0x37: {  	s18 =	sadd.s32 $0x80, s17  }
0x38: {  	[tilespmem:s18], [sflag:s14] =	stream.indirect_vreg.gather [hbm4b:s1+s3], $0x80, v2, vm0, $0xb8;
	[tilespmem:$0x18080] =	vst v63  }
0x39: {  	s18 =	sadd.s32 $0x880, s17  }
0x3a: {  	[tilespmem:s18], [sflag:s14] =	stream.indirect_vreg.gather [hbm4b:s5+s3], $0x80, v2, vm0, $0xb8;
	[tilespmem:$0x18080] =	vst v63  }
0x3b: {  	s18 =	sadd.s32 $0x1080, s17  }
0x3c: {  	[tilespmem:s18], [sflag:s14] =	stream.indirect_vreg.gather [hbm4b:s6+s3], $0x80, v2, vm0, $0xb8;
	[tilespmem:$0x18080] =	vst v63  }
0x3d: {  	s18 =	sadd.s32 $0x1880, s17  }
0x3e: {  	[tilespmem:s18], [sflag:s14] =	stream.indirect_vreg.gather [hbm4b:s7+s3], $0x80, v2, vm0, $0xb8;
	[tilespmem:$0x18080] =	vst v63  }
0x3f: {  	s18 =	sadd.s32 $0x2080, s17  }
0x40: {  	[tilespmem:s18], [sflag:s14] =	stream.indirect_vreg.gather [hbm4b:s8+s3], $0x80, v2, vm0, $0xb8;
	[tilespmem:$0x18080] =	vst v63  }
.Ltmp0:
0x41: {  	s18 =	sadd.s32 $0x2880, s17;
	(pc) =	sbr.rel @p0 .LBB2_2-.Ltmp0, $4  }
0x42: {  	[tilespmem:s18], [sflag:s14] =	stream.indirect_vreg.gather [hbm4b:s9+s3], $0x80, v2, vm0, $0xb8;
	[tilespmem:$0x18080] =	vst v63  }
0x43: {  	s18 =	sadd.s32 $0x3080, s17  }
0x44: {  	[tilespmem:s18], [sflag:s14] =	stream.indirect_vreg.gather [hbm4b:s10+s3], $0x80, v2, vm0, $0xb8;
	[tilespmem:$0x18080] =	vst v63  }
0x45: {  	s13 =	sadd.s32 $0x8, s13;
	s17 =	sadd.s32 $0x3880, s17;
	s14 =	sadd.s32 $0x1, s14  }
0x46: {  	_ =	sdelay $0x3  }
0x47: {  	[tilespmem:s17], [sflag:s15] =	stream.indirect_vreg.gather [hbm4b:s11+s3], $0x80, v2, vm0, $0xb8;
	[tilespmem:$0x18080] =	vst v63  }
0x48: {  	p1 =	por $0x1, $0x1  }
.Ltmp1:
0x49: {  	s13 =	simm.s32 $0x6;
	s14 =	simm.s32 $0x30;
	(pc) =	sbr.rel @!p1 .LBB2_4-.Ltmp1, $4  }
0x4a: {  	s18 =	simm.s32 $0xFFFFFFFB;
	s17 =	simm.s32 $0x0;
	_ =	swait.ge [sflag:s21], $0x4000  }
0x4b: {  	s20 =	simm.s32 $0x0;
	s22 =	simm.s32 $0x7;
	[sflag:s21] =	ssyncset.done $0x0  }
0x4c: {  	p0 =	por $0x0, $0x0;
	s12 =	rddreg [dreg:$0x5];
	[sflag:s21] =	ssyncadd.s32 $0xFFFFC000  }
0x4d: {  	[hbm4b:s12+s3] =	stream.linear.scatter [tilespmem:s25], [sflag:$0x7], $0x4000, $0x38;
	[tilespmem:$0x18080] =	vst v63  }
0x4e: {  	s12 =	simm.s32 $0x0  }
0x4f: {  	s12 =	smul.u32 $0x2B, s12;
	_ =	sdelay $0x1  }
0x50: {  	s15 =	sshrl.u32 s12, $0x1F;
	s12 =	sshrl.u32 s12, $0x8  }
0x51: {  	s26 =	simm.s32 $0x1;
	s12 =	sadd.s32 s15, s12  }
0x52: {  	s15 =	smin.u32 s26, s18;
	s12 =	smul.u32 $0x6, s12  }
0x53: {  	s17 =	sadd.s32 $0x1, s15;
	s18 =	sshll.u32 s15, $0xE  }
0x54: {  	s15 =	sadd.s32 $0x7, s15;
	_ =	swait.ge [sflag:s17], $0x4000;
	s12 =	ssub.s32 $0x0, s12  }
0x55: {  	s18 =	sand.u32 $0x3FFFC000, s18;
	[sflag:s17] =	ssyncset.done $0x0;
	s12 =	sshll.u32 s12, $0x18  }
0x56: {  	s28 =	sor.u32 $0x80, s18;
	[sflag:s17] =	ssyncadd.s32 $0xFFFFC000;
	s12 =	sshra.s32 s12, $0x18  }
0x57: {  	[hbm4b:s16+s3] =	stream.linear.scatter [tilespmem:s28], [sflag:s15], $0x4000, $0x38;
	[tilespmem:$0x18080] =	vst v63  }
0x58: {  	s12 =	sadd.s32 $0x7, s12  }
0x59: {  	_ =	swait.ge [sflag:s12], $0x4000  }
0x5a: {  	[sflag:s12] =	ssyncset.done $0x0  }
0x5b: {  	[sflag:s12] =	ssyncadd.s32 $0xFFFFC000  }
0x5c: {  	v2 =	vld.msk [tilespmem:s14+$0x0], $0xff;
	_ =	sdelay $0x1  }
0x5d: {  	p1 =	por $0x1, $0x1  }
.Ltmp2:
0x5e: {  	_ = 	snop;
	(pc) =	sbr.rel @!p1 .LBB2_6-.Ltmp2, $4  }
0x5f: {  	s30 =	smul.u32 $0xAB, s13  }
0x60: {  	s19 =	sadd.s32 $0x800, s16;
	s20 =	simm.s32 $0x1000000;
	v3 =	vshll.u32 v2, $0x4  }
0x61: {  	p0 =	por $0x1, $0x1;
	s23 =	sshrl.u32 s30, $0xA;
	s18 =	simm.s32 $0xFFFFFFFC;
	v2 =	vand.u32 $0x7, v2;
	v3 =	vand.u32 $0xFFFFFF80, v3  }
0x62: {  	s17 =	simm.s32 $0x1;
	s15 =	simm.s32 $0x30;
	s12 =	simm.s32 $0x8;
	v2 =	vor.u32 v2, v3  }
.LBB2_7:
0x63: {  	s25 =	sadd.s32 $0xFFFFFFF5, s12;
	s23 =	sand.u32 $0x3F, s23;
	v2 =	vperm.xlane v2, v0;
	s15 =	sadd.s32 $0x8, s15  }
0x64: {  	p1 =	sne.s32 s25, $0x4;
	s23 =	smul.u32 $0x6, s23  }
0x65: {  	v2 =	vadd.s32 v1, v2  }
0x66: {  	s20 =	sshra.s32 s20, $0x18;
	s23 =	ssub.s32 s13, s23;
	s13 =	smov.u32 s22  }
0x67: {  	s20 =	smul.u32 $0x2B, s20;
	s22 =	smov.u32 s12;
	s23 =	sand.u32 $0xFF, s23  }
0x68: {  	s26 =	sadd.s32 $0x1, s23;
	s23 =	sshll.u32 s23, $0xE  }
0x69: {  	s28 =	sshrl.u32 s20, $0x1F;
	s20 =	sshrl.u32 s20, $0x8;
	s30 =	sor.u32 $0x80, s23  }
0x6a: {  	[tilespmem:s30], [sflag:s26] =	stream.indirect_vreg.gather [hbm4b:s1+s3], $0x80, v2, vm0, $0xb8;
	[tilespmem:$0x18080] =	vst v63  }
0x6b: {  	s20 =	sadd.s32 s28, s20;
	s28 =	sor.u32 $0x880, s23  }
0x6c: {  	[tilespmem:s28], [sflag:s26] =	stream.indirect_vreg.gather [hbm4b:s5+s3], $0x80, v2, vm0, $0xb8;
	[tilespmem:$0x18080] =	vst v63  }
0x6d: {  	s20 =	smul.u32 $0x6, s20;
	s28 =	sor.u32 $0x1080, s23  }
0x6e: {  	[tilespmem:s28], [sflag:s26] =	stream.indirect_vreg.gather [hbm4b:s6+s3], $0x80, v2, vm0, $0xb8;
	[tilespmem:$0x18080] =	vst v63  }
0x6f: {  	s17 =	ssub.s32 s17, s20;
	s20 =	sor.u32 $0x1880, s23  }
0x70: {  	[tilespmem:s20], [sflag:s26] =	stream.indirect_vreg.gather [hbm4b:s7+s3], $0x80, v2, vm0, $0xb8;
	[tilespmem:$0x18080] =	vst v63  }
0x71: {  	s17 =	sshll.u32 s17, $0x18;
	s20 =	sor.u32 $0x2080, s23  }
0x72: {  	[tilespmem:s20], [sflag:s26] =	stream.indirect_vreg.gather [hbm4b:s8+s3], $0x80, v2, vm0, $0xb8;
	[tilespmem:$0x18080] =	vst v63  }
0x73: {  	s17 =	sshra.s32 s17, $0x18;
	s20 =	sor.u32 $0x2880, s23  }
0x74: {  	[tilespmem:s20], [sflag:s26] =	stream.indirect_vreg.gather [hbm4b:s9+s3], $0x80, v2, vm0, $0xb8;
	[tilespmem:$0x18080] =	vst v63  }
0x75: {  	s28 =	sor.u32 $0x3080, s23;
	s20 =	sadd.s32 $0xFFFFFFFB, s13  }
0x76: {  	[tilespmem:s28], [sflag:s26] =	stream.indirect_vreg.gather [hbm4b:s10+s3], $0x80, v2, vm0, $0xb8;
	[tilespmem:$0x18080] =	vst v63  }
0x77: {  	s23 =	sor.u32 $0x3880, s23;
	s20 =	smin.u32 s20, s18;
	s18 =	smov.u32 s25  }
0x78: {  	[tilespmem:s23], [sflag:s26] =	stream.indirect_vreg.gather [hbm4b:s11+s3], $0x80, v2, vm0, $0xb8;
	[tilespmem:$0x18080] =	vst v63  }
0x79: {  	s25 =	sshll.u32 s20, $0xE;
	s23 =	sadd.s32 $0x1, s20  }
0x7a: {  	s25 =	sand.u32 $0x3FFFC000, s25;
	_ =	swait.ge [sflag:s23], $0x4000  }
0x7b: {  	s17 =	sadd.s32 $0x7, s17;
	[sflag:s23] =	ssyncset.done $0x0  }
0x7c: {  	s20 =	sadd.s32 $0x7, s20;
	[sflag:s23] =	ssyncadd.s32 $0xFFFFC000;
	s23 =	sor.u32 $0x80, s25  }
0x7d: {  	[hbm4b:s19+s3] =	stream.linear.scatter [tilespmem:s23], [sflag:s20], $0x4000, $0x38;
	[tilespmem:$0x18080] =	vst v63  }
0x7e: {  	_ =	swait.ge [sflag:s17], $0x4000  }
0x7f: {  	[sflag:s17] =	ssyncset.done $0x0  }
0x80: {  	[sflag:s17] =	ssyncadd.s32 $0xFFFFC000  }
0x81: {  	v2 =	vld.msk [tilespmem:s15+$0x0], $0xff;
	_ =	sdelay $0x2  }
.Ltmp3:
0x82: {  	(pc) =	sbr.rel @p1 .LBB2_7-.Ltmp3, $4  }
0x83: {  	_ = 	snop  }
0x84: {  	s23 =	smul.u32 $0xAB, s13;
	v3 =	vshll.u32 v2, $0x4  }
0x85: {  	s19 =	sadd.s32 $0x800, s19;
	s17 =	sadd.s32 $0xFFFFFFFA, s12;
	v2 =	vand.u32 $0x7, v2;
	v3 =	vand.u32 $0xFFFFFF80, v3  }
0x86: {  	s23 =	sshrl.u32 s23, $0xA;
	s12 =	sadd.s32 $0x1, s12;
	s20 =	sshll.u32 s17, $0x18;
	v2 =	vor.u32 v2, v3  }
0x87: {  	s12 =	smov.u32 s13;
	s13 =	smov.u32 s22;
	s25 =	simm.s32 $0x80  }
.LBB2_9:
0x88: {  	s22 =	sand.u32 @p0 $0x3F, s23;
	v2 =	vperm.xlane @p0 v2, v0  }
0x89: {  	s22 =	smul.u32 @p0 $0x6, s22  }
0x8a: {  	v2 =	vadd.s32 @p0 v1, v2  }
0x8b: {  	s12 =	ssub.s32 @p0 s12, s22  }
0x8c: {  	s12 =	sand.u32 @p0 $0xFF, s12  }
0x8d: {  	s22 =	sshll.u32 @p0 s12, $0xE  }
0x8e: {  	s12 =	sadd.s32 @p0 $0x1, s12;
	s23 =	sor.u32 @p0 $0x80, s22  }
0x8f: {  	[tilespmem:s23], [sflag:s12] =	stream.indirect_vreg.gather @p0 [hbm4b:s1+s3], $0x80, v2, vm0, $0xb8;
	[tilespmem:$0x18080] =	vst v63  }
0x90: {  	s23 =	sor.u32 @p0 $0x880, s22  }
0x91: {  	[tilespmem:s23], [sflag:s12] =	stream.indirect_vreg.gather @p0 [hbm4b:s5+s3], $0x80, v2, vm0, $0xb8;
	[tilespmem:$0x18080] =	vst v63  }
0x92: {  	s23 =	sor.u32 @p0 $0x1080, s22  }
0x93: {  	[tilespmem:s23], [sflag:s12] =	stream.indirect_vreg.gather @p0 [hbm4b:s6+s3], $0x80, v2, vm0, $0xb8;
	[tilespmem:$0x18080] =	vst v63  }
0x94: {  	s20 =	sshra.s32 s20, $0x18;
	s23 =	sor.u32 @p0 $0x1880, s22  }
0x95: {  	[tilespmem:s23], [sflag:s12] =	stream.indirect_vreg.gather @p0 [hbm4b:s7+s3], $0x80, v2, vm0, $0xb8;
	[tilespmem:$0x18080] =	vst v63  }
0x96: {  	s26 =	sadd.s32 $0xFFFFFFFB, s13;
	s20 =	smul.u32 $0x2B, s20;
	s23 =	sor.u32 @p0 $0x2080, s22  }
0x97: {  	[tilespmem:s23], [sflag:s12] =	stream.indirect_vreg.gather @p0 [hbm4b:s8+s3], $0x80, v2, vm0, $0xb8;
	[tilespmem:$0x18080] =	vst v63  }
0x98: {  	s30 =	sshrl.u32 s20, $0x1F;
	s20 =	sshrl.u32 s20, $0x8;
	s23 =	sor.u32 @p0 $0x2880, s22  }
0x99: {  	[tilespmem:s23], [sflag:s12] =	stream.indirect_vreg.gather @p0 [hbm4b:s9+s3], $0x80, v2, vm0, $0xb8;
	[tilespmem:$0x18080] =	vst v63  }
0x9a: {  	s18 =	smin.u32 s26, s18;
	s20 =	sadd.s32 s30, s20;
	s23 =	sor.u32 @p0 $0x3080, s22  }
0x9b: {  	[tilespmem:s23], [sflag:s12] =	stream.indirect_vreg.gather @p0 [hbm4b:s10+s3], $0x80, v2, vm0, $0xb8;
	[tilespmem:$0x18080] =	vst v63  }
0x9c: {  	s28 =	sadd.s32 $0x1, s18;
	s20 =	smul.u32 $0x6, s20;
	s22 =	sor.u32 @p0 $0x3880, s22  }
0x9d: {  	[tilespmem:s22], [sflag:s12] =	stream.indirect_vreg.gather @p0 [hbm4b:s11+s3], $0x80, v2, vm0, $0xb8;
	[tilespmem:$0x18080] =	vst v63  }
0x9e: {  	s23 =	sshll.u32 s18, $0xE;
	_ =	swait.ge [sflag:s28], $0x4000  }
0x9f: {  	s26 =	ssub.s32 s17, s20;
	s23 =	sand.u32 $0x3FFFC000, s23;
	[sflag:s28] =	ssyncset.done $0x0  }
0xa0: {  	s18 =	sadd.s32 $0x7, s18;
	s12 =	sor.u32 $0x80, s23;
	[sflag:s28] =	ssyncadd.s32 $0xFFFFC000  }
0xa1: {  	[hbm4b:s19+s3] =	stream.linear.scatter [tilespmem:s12], [sflag:s18], $0x4000, $0x38;
	[tilespmem:$0x18080] =	vst v63  }
0xa2: {  	s12 =	sshll.u32 s26, $0x18  }
0xa3: {  	s12 =	sshra.s32 s12, $0x18  }
0xa4: {  	s12 =	sadd.s32 $0x7, s12  }
0xa5: {  	_ =	swait.ge [sflag:s12], $0x4000  }
0xa6: {  	s15 =	sadd.s32 @p0 $0x8, s15;
	[sflag:s12] =	ssyncset.done $0x0  }
0xa7: {  	s14 =	smov.u32 @p0 s15;
	[sflag:s12] =	ssyncadd.s32 $0xFFFFC000  }
0xa8: {  	v2 =	vld.msk [tilespmem:s14+$0x0], $0xff;
	_ =	sdelay $0x4  }
0xa9: {  	s28 =	smul.u32 $0xAB, s13;
	v3 =	vshll.u32 v2, $0x4  }
0xaa: {  	v2 =	vand.u32 $0x7, v2;
	v3 =	vand.u32 $0xFFFFFF80, v3  }
0xab: {  	s12 =	sshrl.u32 s28, $0xA;
	v2 =	vor.u32 v2, v3  }
0xac: {  	s12 =	sand.u32 $0x3F, s12;
	v2 =	vperm.xlane v2, v0  }
0xad: {  	s12 =	smul.u32 $0x6, s12  }
0xae: {  	v2 =	vadd.s32 v1, v2  }
0xaf: {  	s12 =	ssub.s32 s13, s12  }
0xb0: {  	s12 =	sand.u32 $0xFF, s12  }
0xb1: {  	s30 =	sshll.u32 s12, $0xE  }
0xb2: {  	s12 =	sadd.s32 $0x1, s12;
	s15 =	sor.u32 $0x80, s30  }
0xb3: {  	[tilespmem:s15], [sflag:s12] =	stream.indirect_vreg.gather [hbm4b:s1+s3], $0x80, v2, vm0, $0xb8;
	[tilespmem:$0x18080] =	vst v63  }
0xb4: {  	s17 =	sor.u32 $0x880, s30  }
0xb5: {  	[tilespmem:s17], [sflag:s12] =	stream.indirect_vreg.gather [hbm4b:s5+s3], $0x80, v2, vm0, $0xb8;
	[tilespmem:$0x18080] =	vst v63  }
0xb6: {  	s18 =	sor.u32 $0x1080, s30  }
0xb7: {  	[tilespmem:s18], [sflag:s12] =	stream.indirect_vreg.gather [hbm4b:s6+s3], $0x80, v2, vm0, $0xb8;
	[tilespmem:$0x18080] =	vst v63  }
0xb8: {  	s19 =	sor.u32 $0x1880, s30  }
0xb9: {  	[tilespmem:s19], [sflag:s12] =	stream.indirect_vreg.gather [hbm4b:s7+s3], $0x80, v2, vm0, $0xb8;
	[tilespmem:$0x18080] =	vst v63  }
0xba: {  	s20 =	sor.u32 $0x2080, s30  }
0xbb: {  	[tilespmem:s20], [sflag:s12] =	stream.indirect_vreg.gather [hbm4b:s8+s3], $0x80, v2, vm0, $0xb8;
	[tilespmem:$0x18080] =	vst v63  }
0xbc: {  	s22 =	sor.u32 $0x2880, s30  }
0xbd: {  	[tilespmem:s22], [sflag:s12] =	stream.indirect_vreg.gather [hbm4b:s9+s3], $0x80, v2, vm0, $0xb8;
	[tilespmem:$0x18080] =	vst v63  }
0xbe: {  	s23 =	sor.u32 $0x3080, s30  }
0xbf: {  	[tilespmem:s23], [sflag:s12] =	stream.indirect_vreg.gather [hbm4b:s10+s3], $0x80, v2, vm0, $0xb8;
	[tilespmem:$0x18080] =	vst v63  }
0xc0: {  	s26 =	simm.s32 $0x6;
	s13 =	sor.u32 $0x3880, s30  }
0xc1: {  	[tilespmem:s13], [sflag:s12] =	stream.indirect_vreg.gather [hbm4b:s11+s3], $0x80, v2, vm0, $0xb8;
	[tilespmem:$0x18080] =	vst v63  }
0xc2: {  	_ =	swait.ge [sflag:s26], $0x4000  }
0xc3: {  	s30 =	simm.s32 $0x14080;
	[sflag:s26] =	ssyncset.done $0x0  }
0xc4: {  	s13 =	simm.s32 $0xB;
	s28 =	rddreg [dreg:$0x7];
	[sflag:s26] =	ssyncadd.s32 $0xFFFFC000  }
0xc5: {  	[hbm4b:s28+s3] =	stream.linear.scatter [tilespmem:s30], [sflag:$0xC], $0x4000, $0x38;
	[tilespmem:$0x18080] =	vst v63  }
0xc6: {  	_ =	swait.ge [sflag:s13], $0x4000  }
0xc7: {  	[sflag:s13] =	ssyncset.done $0x0  }
0xc8: {  	[sflag:s13] =	ssyncadd.s32 $0xFFFFC000  }
0xc9: {  	_ =	swait.ge [sflag:s21], $0x4000  }
0xca: {  	[sflag:s21] =	ssyncset.done $0x0  }
0xcb: {  	s15 =	simm.s32 $0xC;
	s14 =	rddreg [dreg:$0x8];
	[sflag:s21] =	ssyncadd.s32 $0xFFFFC000  }
0xcc: {  	[hbm4b:s14+s3] =	stream.linear.scatter [tilespmem:s25], [sflag:$0x7], $0x4000, $0x38;
	[tilespmem:$0x18080] =	vst v63  }
0xcd: {  	_ =	swait.ge [sflag:s15], $0x4000  }
0xce: {  	[sflag:s15] =	ssyncset.done $0x0  }
0xcf: {  	s17 =	simm.s32 $0x2;
	[sflag:s15] =	ssyncadd.s32 $0xFFFFC000  }
0xd0: {  	_ =	swait.ge [sflag:s17], $0x4000  }
0xd1: {  	s19 =	simm.s32 $0x4080;
	[sflag:s17] =	ssyncset.done $0x0  }
0xd2: {  	s20 =	simm.s32 $0x7;
	s18 =	rddreg [dreg:$0x9];
	[sflag:s17] =	ssyncadd.s32 $0xFFFFC000  }
0xd3: {  	[hbm4b:s18+s3] =	stream.linear.scatter [tilespmem:s19], [sflag:$0x8], $0x4000, $0x38;
	[tilespmem:$0x18080] =	vst v63  }
0xd4: {  	_ =	swait.ge [sflag:s20], $0x4000  }
0xd5: {  	[sflag:s20] =	ssyncset.done $0x0  }
0xd6: {  	[sflag:s20] =	ssyncadd.s32 $0xFFFFC000  }
0xd7: {  	_ =	swait.ge [sflag:s31], $0x4000  }
0xd8: {  	[sflag:s31] =	ssyncset.done $0x0  }
0xd9: {  	s23 =	simm.s32 $0x8080;
	s22 =	rddreg [dreg:$0xa];
	[sflag:s31] =	ssyncadd.s32 $0xFFFFC000  }
0xda: {  	[hbm4b:s22+s3] =	stream.linear.scatter [tilespmem:s23], [sflag:$0x9], $0x4000, $0x38;
	[tilespmem:$0x18080] =	vst v63  }
0xdb: {  	_ =	swait.ge [sflag:s2], $0x4000  }
0xdc: {  	[sflag:s2] =	ssyncset.done $0x0  }
0xdd: {  	[sflag:s2] =	ssyncadd.s32 $0xFFFFC000  }
0xde: {  	_ =	swait.ge [sflag:s24], $0x4000  }
0xdf: {  	[sflag:s24] =	ssyncset.done $0x0  }
0xe0: {  	s28 =	simm.s32 $0xC080;
	s26 =	rddreg [dreg:$0xb];
	[sflag:s24] =	ssyncadd.s32 $0xFFFFC000  }
0xe1: {  	[hbm4b:s26+s3] =	stream.linear.scatter [tilespmem:s28], [sflag:$0xA], $0x4000, $0x38;
	[tilespmem:$0x18080] =	vst v63  }
0xe2: {  	_ =	swait.ge [sflag:s0], $0x4000  }
0xe3: {  	[sflag:s0] =	ssyncset.done $0x0  }
0xe4: {  	[sflag:s0] =	ssyncadd.s32 $0xFFFFC000  }
0xe5: {  	_ =	swait.ge [sflag:s29], $0x4000  }
0xe6: {  	s4 =	sadd.s32 $0x1, s4;
	s30 =	rddreg [dreg:$0x6]  }
0xe7: {  	p0 =	sne.s32 s4, s30  }
.Ltmp4:
0xe8: {  	_ = 	snop;
	(pc) =	sbr.rel @p0 .LBB2_1-.Ltmp4, $4  }
.Ltmp5:
0xe9: {  	_ = 	snop;
	(pc) =	sbr.rel @!p0 .LBB2_10-.Ltmp5, $4  }
0xea: {  	_ = 	snop  }
0xeb: {  	[sflag:s29] =	ssyncset.done $0x0  }
0xec: {  	[sflag:s29] =	ssyncadd.s32 $0xFFFFC000  }
0xed: {  	_ = 	snop  }
.LBB2_4:
.Ltmp6:
0xee: {  	(pc) =	sbr.rel .LBB2_9-.Ltmp6, $2  }
0xef: {  	_ =	sdelay $0x2  }
0xf0: {  	s15 =	simm.s32 $0x30;
	s19 =	smov.u32 s16  }
.LBB2_6:
.Ltmp7:
0xf1: {  	(pc) =	sbr.rel .LBB2_9-.Ltmp7, $3  }
0xf2: {  	_ =	sdelay $0x1  }
0xf3: {  	s15 =	simm.s32 $0x30;
	s12 =	simm.s32 $0x6  }
0xf4: {  	s13 =	simm.s32 $0x7;
	s18 =	simm.s32 $0xFFFFFFFC;
	s25 =	simm.s32 $0x80  }
.LBB2_10:
0xf5: {  	_ =	sfence.sel $0x180000  }
0xf6: {  	[bflag:$0x0] =	sbarrier.arrive $0xFFFF  }
0xf7: {  	_ =	strace $0x90000047  }
0xf8: {  	s0 =	stileid.u32;
	[bflag:$0x2] =	sbarrier.arrive $0xFFFF  }
0xf9: {  	p0 =	sne.s32 s0, $0x0;
	s0 =	rddreg [dreg:$0x3]  }
0xfa: {  	s0 =	sadd.s32 @!p0 $0x100000, s0  }
0xfb: {  	[sflag:s0] =	ssyncadd.tile.s32 @!p0 $0x1;
	_ =	shalt  }
.Lfunc_end2:
_tile_overlayer_lowered:
.L_overlay_start_2:
0xfc: {  	(tag) =	ssettag $0x2  }
0xfd: {  	s0 =	rddreg [dreg:$0x0];
	s2 =	stileid.u32  }
0xfe: {  	s1 =	rddreg [dreg:$0x1];
	p0 =	sne.s32 s2, $0x0  }
0xff: {  	s3 =	rddreg [dreg:$0x2];
	[bflag:$0x3] =	sbarrier.arrive $0xFFFF;
	s2 =	simm.s32 @!p0 $0x1C0D  }
0x100: {  	[timem:s3], [sflag:s2] =	dma.local @!p0 [hbm:s0], s1  }
0x101: {  	s0 =	simm.s32 @!p0 $0xD  }
0x102: {  	_ =	swait.ge @!p0 [sflag:s0], s1  }
0x103: {  	s1 =	ssub.s32 @!p0 $0x0, s1;
	[sflag:s0] =	ssyncset.done @!p0 $0x0  }
0x104: {  	[sflag:s0] =	ssyncadd.s32 @!p0 s1  }
0x105: {  	[bflag:$0x3] =	sbarrier.arrive $0xFFFF  }
0x106: {  	_ =	shalt  }

</sc_bundles>
